<compile_context>
chip_gen: v7x
topology: tpu7x:2x2x1
jax: 0.10.2.dev20260603
libtpu: 0.0.44.dev20260713+nightly
codegen_flags: <defaults>
</compile_context>

<pallas_src>
import functools

import jax
import jax.numpy as jnp
from jax import lax
from jax.experimental import pallas as pl
from jax.experimental.pallas import tpu as pltpu
from jax.experimental.pallas import tpu_sc as plsc

_B = 4


def _scs_gather_bcast(idx, table):
    n_sel = idx.shape[0]
    n_pool, length, dim = table.shape
    info = plsc.get_sparse_core_info()
    nc = info.num_cores
    per_c = n_sel // nc

    mesh = plsc.ScalarSubcoreMesh(axis_name="c", num_cores=nc)

    @functools.partial(
        pl.kernel,
        mesh=mesh,
        out_type=jax.ShapeDtypeStruct((_B, n_sel * length, 1, dim), jnp.float32),
        scratch_types=[
            pltpu.SMEM((n_sel,), jnp.int32),
            pltpu.SemaphoreType.DMA,
        ],
    )
    def body(idx_hbm, table_hbm, out_hbm, idx_s, sem):
        cid = lax.axis_index("c")
        base = cid * per_c
        pltpu.sync_copy(idx_hbm, idx_s)

        def issue(i, carry):
            sel = base + i
            v = idx_s[sel]
            for b in range(_B):
                pltpu.async_copy(
                    table_hbm.at[v],
                    out_hbm.at[b, pl.ds(sel * length, length), 0],
                    sem,
                ).wait()
            return carry

        lax.fori_loop(0, per_c, issue, 0)

    return body(idx, table)


def kernel(indices, batch_size, prompts):
    del batch_size
    return _scs_gather_bcast(indices.astype(jnp.int32), prompts)

# --- scband reference (transcript-rebuilt; emitter-appended) ---
"""Pipeline reference for scband-prompt-pool-49787260895564 (READ-ONLY COPY).

The authoritative reference and input builder live on the scoring server;
editing this copy changes nothing except your own understanding.
"""

import jax, jax.numpy as jnp
import numpy as np

NUM_PROMPTS = 1000
PROMPT_LENGTH = 8
EMBEDDING_SIZE = 1024


def setup_inputs(seed: int = 0) -> dict:
    key = jax.random.key(seed)
    k1, k2 = jax.random.split(key)
    prompts = jax.random.normal(k1, (NUM_PROMPTS, PROMPT_LENGTH, EMBEDDING_SIZE), dtype=jnp.float32) * 0.02
    indices = jax.random.randint(k2, (32,), 0, NUM_PROMPTS, dtype=jnp.int64 if jax.config.read('jax_enable_x64') else jnp.int32)
    return {"indices": indices, "batch_size": 4, "prompts": prompts}


def reference(indices, batch_size, prompts):
    # p = self.prompts[indices]  -> gather rows of the prompt pool
    p = jnp.take(prompts, indices, axis=0)  # [n_sel, L, D]
    # p = p.reshape(-1, p.shape[-1])
    p = p.reshape(-1, p.shape[-1])  # [n_sel*L, D]
    # p = p.unsqueeze(0).unsqueeze(2).repeat(batch_size, 1, 1, 1)
    p = p[None, :, None, :]  # [1, n_sel*L, 1, D]
    B = 4
    p = jnp.tile(p, (B, 1, 1, 1))  # [B, n_sel*L, 1, D]
    p = p + jnp.zeros((), p.dtype) * batch_size
    return p

if __name__ == "__main__":
    import jax
    _d = setup_inputs()
    print(jax.jit(kernel)(*tuple(_d.values())))

</pallas_src>

<mosaic_0001>
#map = affine_map<(d0) -> (0)>
#map1 = affine_map<(d0) -> (0, 0, 0)>
#map2 = affine_map<(d0) -> (0, 0, 0, 0)>
module attributes {stable_mosaic.version = 14 : i64} {
  func.func @body(%arg0: i32, %arg1: memref<32xi32, #tpu.memory_space<hbm>>, %arg2: memref<1000x8x1024xf32, #tpu.memory_space<hbm>>, %arg3: memref<4x256x1x1024xf32, #tpu.memory_space<hbm>>, %arg4: memref<32xi32, #tpu.memory_space<smem>>, %arg5: memref<!tpu.dma_semaphore, #tpu.memory_space<semaphore_mem>>) attributes {dimension_semantics = [#tpu.dimension_semantics<core_parallel>], iteration_bounds = array<i64: 2>, scalar_prefetch = 0 : i64, scratch_operands = 2 : i64, tpu.core_type = #tpu.core_type<sc_scalar_subcore>, window_params = [{transform_indices = #map}, {transform_indices = #map1}, {transform_indices = #map2}]} {
    %mul3A = arith.constant 16 : i32
    %mul3A_0 = arith.muli %arg0, %mul3A : i32
    "tpu.region"() ({
      %run_scoped3A = tpu.sem_alloc : memref<!tpu.dma_semaphore, #tpu.memory_space<semaphore_mem>>
      tpu.enqueue_dma source(%arg1 : memref<32xi32, #tpu.memory_space<hbm>>) target(%arg4 : memref<32xi32, #tpu.memory_space<smem>>) target_semaphore(%run_scoped3A : memref<!tpu.dma_semaphore, #tpu.memory_space<semaphore_mem>>)
      tpu.wait_dma2 semaphore(%run_scoped3A : memref<!tpu.dma_semaphore, #tpu.memory_space<semaphore_mem>>) src(%arg1 : memref<32xi32, #tpu.memory_space<hbm>>) dst(%arg4 : memref<32xi32, #tpu.memory_space<smem>>)
      tpu.yield
    }) : () -> ()
    %scan3A = arith.constant 0 : i32
    %scan3A_1 = arith.constant 0 : i32
    %scan3A_2 = arith.constant 16 : i32
    %scan3A_3 = arith.addi %scan3A_1, %scan3A_2 : i32
    %scan3A_4 = arith.constant 1 : i32
    scf.for %scan3A_6 = %scan3A_1 to %scan3A_3 step %scan3A_4  : i32 {
      %add3A = arith.addi %mul3A_0, %scan3A_6 : i32
      %get3A = arith.index_cast %add3A : i32 to index
      %get3A_7 = memref.load %arg4[%get3A] : memref<32xi32, #tpu.memory_space<smem>>
      %mul3A_8 = arith.constant 8 : i32
      %mul3A_9 = arith.muli %add3A, %mul3A_8 : i32
      %dma_start3A = arith.constant 0 : i32
      %dma_start3A_10 = arith.constant 0 : i32
      %dma_start3A_11 = arith.constant 0 : i32
      %dma_start3A_12 = tpu.memref_slice %arg3[%dma_start3A, %mul3A_9, %dma_start3A_10, %dma_start3A_11] : memref<4x256x1x1024xf32, #tpu.memory_space<hbm>> -> memref<1x8x1x1024xf32, #tpu.memory_space<hbm>>
      %dma_start3A_13 = tpu.memref_squeeze %dma_start3A_12 : memref<1x8x1x1024xf32, #tpu.memory_space<hbm>> -> memref<8x1024xf32, #tpu.memory_space<hbm>>
      %dma_start3A_14 = arith.constant 0 : i32
      %dma_start3A_15 = arith.constant 0 : i32
      %dma_start3A_16 = tpu.memref_slice %arg2[%get3A_7, %dma_start3A_14, %dma_start3A_15] : memref<1000x8x1024xf32, #tpu.memory_space<hbm>> -> memref<1x8x1024xf32, #tpu.memory_space<hbm>>
      %dma_start3A_17 = tpu.memref_squeeze %dma_start3A_16 : memref<1x8x1024xf32, #tpu.memory_space<hbm>> -> memref<8x1024xf32, #tpu.memory_space<hbm>>
      tpu.enqueue_dma source(%dma_start3A_17 : memref<8x1024xf32, #tpu.memory_space<hbm>>) target(%dma_start3A_13 : memref<8x1024xf32, #tpu.memory_space<hbm>>) target_semaphore(%arg5 : memref<!tpu.dma_semaphore, #tpu.memory_space<semaphore_mem>>)
      %dma_wait3A = arith.constant 0 : i32
      %dma_wait3A_18 = arith.constant 0 : i32
      %dma_wait3A_19 = arith.constant 0 : i32
      %dma_wait3A_20 = tpu.memref_slice %arg3[%dma_wait3A, %mul3A_9, %dma_wait3A_18, %dma_wait3A_19] : memref<4x256x1x1024xf32, #tpu.memory_space<hbm>> -> memref<1x8x1x1024xf32, #tpu.memory_space<hbm>>
      %dma_wait3A_21 = tpu.memref_squeeze %dma_wait3A_20 : memref<1x8x1x1024xf32, #tpu.memory_space<hbm>> -> memref<8x1024xf32, #tpu.memory_space<hbm>>
      %dma_wait3A_22 = arith.constant 0 : i32
      %dma_wait3A_23 = arith.constant 0 : i32
      %dma_wait3A_24 = tpu.memref_slice %arg2[%get3A_7, %dma_wait3A_22, %dma_wait3A_23] : memref<1000x8x1024xf32, #tpu.memory_space<hbm>> -> memref<1x8x1024xf32, #tpu.memory_space<hbm>>
      %dma_wait3A_25 = tpu.memref_squeeze %dma_wait3A_24 : memref<1x8x1024xf32, #tpu.memory_space<hbm>> -> memref<8x1024xf32, #tpu.memory_space<hbm>>
      tpu.wait_dma2 semaphore(%arg5 : memref<!tpu.dma_semaphore, #tpu.memory_space<semaphore_mem>>) src(%dma_wait3A_25 : memref<8x1024xf32, #tpu.memory_space<hbm>>) dst(%dma_wait3A_21 : memref<8x1024xf32, #tpu.memory_space<hbm>>)
      %mul3A_26 = arith.constant 8 : i32
      %mul3A_27 = arith.muli %add3A, %mul3A_26 : i32
      %dma_start3A_28 = arith.constant 1 : i32
      %dma_start3A_29 = arith.constant 0 : i32
      %dma_start3A_30 = arith.constant 0 : i32
      %dma_start3A_31 = tpu.memref_slice %arg3[%dma_start3A_28, %mul3A_27, %dma_start3A_29, %dma_start3A_30] : memref<4x256x1x1024xf32, #tpu.memory_space<hbm>> -> memref<1x8x1x1024xf32, #tpu.memory_space<hbm>>
      %dma_start3A_32 = tpu.memref_squeeze %dma_start3A_31 : memref<1x8x1x1024xf32, #tpu.memory_space<hbm>> -> memref<8x1024xf32, #tpu.memory_space<hbm>>
      %dma_start3A_33 = arith.constant 0 : i32
      %dma_start3A_34 = arith.constant 0 : i32
      %dma_start3A_35 = tpu.memref_slice %arg2[%get3A_7, %dma_start3A_33, %dma_start3A_34] : memref<1000x8x1024xf32, #tpu.memory_space<hbm>> -> memref<1x8x1024xf32, #tpu.memory_space<hbm>>
      %dma_start3A_36 = tpu.memref_squeeze %dma_start3A_35 : memref<1x8x1024xf32, #tpu.memory_space<hbm>> -> memref<8x1024xf32, #tpu.memory_space<hbm>>
      tpu.enqueue_dma source(%dma_start3A_36 : memref<8x1024xf32, #tpu.memory_space<hbm>>) target(%dma_start3A_32 : memref<8x1024xf32, #tpu.memory_space<hbm>>) target_semaphore(%arg5 : memref<!tpu.dma_semaphore, #tpu.memory_space<semaphore_mem>>)
      %dma_wait3A_37 = arith.constant 1 : i32
      %dma_wait3A_38 = arith.constant 0 : i32
      %dma_wait3A_39 = arith.constant 0 : i32
      %dma_wait3A_40 = tpu.memref_slice %arg3[%dma_wait3A_37, %mul3A_27, %dma_wait3A_38, %dma_wait3A_39] : memref<4x256x1x1024xf32, #tpu.memory_space<hbm>> -> memref<1x8x1x1024xf32, #tpu.memory_space<hbm>>
      %dma_wait3A_41 = tpu.memref_squeeze %dma_wait3A_40 : memref<1x8x1x1024xf32, #tpu.memory_space<hbm>> -> memref<8x1024xf32, #tpu.memory_space<hbm>>
      %dma_wait3A_42 = arith.constant 0 : i32
      %dma_wait3A_43 = arith.constant 0 : i32
      %dma_wait3A_44 = tpu.memref_slice %arg2[%get3A_7, %dma_wait3A_42, %dma_wait3A_43] : memref<1000x8x1024xf32, #tpu.memory_space<hbm>> -> memref<1x8x1024xf32, #tpu.memory_space<hbm>>
      %dma_wait3A_45 = tpu.memref_squeeze %dma_wait3A_44 : memref<1x8x1024xf32, #tpu.memory_space<hbm>> -> memref<8x1024xf32, #tpu.memory_space<hbm>>
      tpu.wait_dma2 semaphore(%arg5 : memref<!tpu.dma_semaphore, #tpu.memory_space<semaphore_mem>>) src(%dma_wait3A_45 : memref<8x1024xf32, #tpu.memory_space<hbm>>) dst(%dma_wait3A_41 : memref<8x1024xf32, #tpu.memory_space<hbm>>)
      %mul3A_46 = arith.constant 8 : i32
      %mul3A_47 = arith.muli %add3A, %mul3A_46 : i32
      %dma_start3A_48 = arith.constant 2 : i32
      %dma_start3A_49 = arith.constant 0 : i32
      %dma_start3A_50 = arith.constant 0 : i32
      %dma_start3A_51 = tpu.memref_slice %arg3[%dma_start3A_48, %mul3A_47, %dma_start3A_49, %dma_start3A_50] : memref<4x256x1x1024xf32, #tpu.memory_space<hbm>> -> memref<1x8x1x1024xf32, #tpu.memory_space<hbm>>
      %dma_start3A_52 = tpu.memref_squeeze %dma_start3A_51 : memref<1x8x1x1024xf32, #tpu.memory_space<hbm>> -> memref<8x1024xf32, #tpu.memory_space<hbm>>
      %dma_start3A_53 = arith.constant 0 : i32
      %dma_start3A_54 = arith.constant 0 : i32
      %dma_start3A_55 = tpu.memref_slice %arg2[%get3A_7, %dma_start3A_53, %dma_start3A_54] : memref<1000x8x1024xf32, #tpu.memory_space<hbm>> -> memref<1x8x1024xf32, #tpu.memory_space<hbm>>
      %dma_start3A_56 = tpu.memref_squeeze %dma_start3A_55 : memref<1x8x1024xf32, #tpu.memory_space<hbm>> -> memref<8x1024xf32, #tpu.memory_space<hbm>>
      tpu.enqueue_dma source(%dma_start3A_56 : memref<8x1024xf32, #tpu.memory_space<hbm>>) target(%dma_start3A_52 : memref<8x1024xf32, #tpu.memory_space<hbm>>) target_semaphore(%arg5 : memref<!tpu.dma_semaphore, #tpu.memory_space<semaphore_mem>>)
      %dma_wait3A_57 = arith.constant 2 : i32
      %dma_wait3A_58 = arith.constant 0 : i32
      %dma_wait3A_59 = arith.constant 0 : i32
      %dma_wait3A_60 = tpu.memref_slice %arg3[%dma_wait3A_57, %mul3A_47, %dma_wait3A_58, %dma_wait3A_59] : memref<4x256x1x1024xf32, #tpu.memory_space<hbm>> -> memref<1x8x1x1024xf32, #tpu.memory_space<hbm>>
      %dma_wait3A_61 = tpu.memref_squeeze %dma_wait3A_60 : memref<1x8x1x1024xf32, #tpu.memory_space<hbm>> -> memref<8x1024xf32, #tpu.memory_space<hbm>>
      %dma_wait3A_62 = arith.constant 0 : i32
      %dma_wait3A_63 = arith.constant 0 : i32
      %dma_wait3A_64 = tpu.memref_slice %arg2[%get3A_7, %dma_wait3A_62, %dma_wait3A_63] : memref<1000x8x1024xf32, #tpu.memory_space<hbm>> -> memref<1x8x1024xf32, #tpu.memory_space<hbm>>
      %dma_wait3A_65 = tpu.memref_squeeze %dma_wait3A_64 : memref<1x8x1024xf32, #tpu.memory_space<hbm>> -> memref<8x1024xf32, #tpu.memory_space<hbm>>
      tpu.wait_dma2 semaphore(%arg5 : memref<!tpu.dma_semaphore, #tpu.memory_space<semaphore_mem>>) src(%dma_wait3A_65 : memref<8x1024xf32, #tpu.memory_space<hbm>>) dst(%dma_wait3A_61 : memref<8x1024xf32, #tpu.memory_space<hbm>>)
      %mul3A_66 = arith.constant 8 : i32
      %mul3A_67 = arith.muli %add3A, %mul3A_66 : i32
      %dma_start3A_68 = arith.constant 3 : i32
      %dma_start3A_69 = arith.constant 0 : i32
      %dma_start3A_70 = arith.constant 0 : i32
      %dma_start3A_71 = tpu.memref_slice %arg3[%dma_start3A_68, %mul3A_67, %dma_start3A_69, %dma_start3A_70] : memref<4x256x1x1024xf32, #tpu.memory_space<hbm>> -> memref<1x8x1x1024xf32, #tpu.memory_space<hbm>>
      %dma_start3A_72 = tpu.memref_squeeze %dma_start3A_71 : memref<1x8x1x1024xf32, #tpu.memory_space<hbm>> -> memref<8x1024xf32, #tpu.memory_space<hbm>>
      %dma_start3A_73 = arith.constant 0 : i32
      %dma_start3A_74 = arith.constant 0 : i32
      %dma_start3A_75 = tpu.memref_slice %arg2[%get3A_7, %dma_start3A_73, %dma_start3A_74] : memref<1000x8x1024xf32, #tpu.memory_space<hbm>> -> memref<1x8x1024xf32, #tpu.memory_space<hbm>>
      %dma_start3A_76 = tpu.memref_squeeze %dma_start3A_75 : memref<1x8x1024xf32, #tpu.memory_space<hbm>> -> memref<8x1024xf32, #tpu.memory_space<hbm>>
      tpu.enqueue_dma source(%dma_start3A_76 : memref<8x1024xf32, #tpu.memory_space<hbm>>) target(%dma_start3A_72 : memref<8x1024xf32, #tpu.memory_space<hbm>>) target_semaphore(%arg5 : memref<!tpu.dma_semaphore, #tpu.memory_space<semaphore_mem>>)
      %dma_wait3A_77 = arith.constant 3 : i32
      %dma_wait3A_78 = arith.constant 0 : i32
      %dma_wait3A_79 = arith.constant 0 : i32
      %dma_wait3A_80 = tpu.memref_slice %arg3[%dma_wait3A_77, %mul3A_67, %dma_wait3A_78, %dma_wait3A_79] : memref<4x256x1x1024xf32, #tpu.memory_space<hbm>> -> memref<1x8x1x1024xf32, #tpu.memory_space<hbm>>
      %dma_wait3A_81 = tpu.memref_squeeze %dma_wait3A_80 : memref<1x8x1x1024xf32, #tpu.memory_space<hbm>> -> memref<8x1024xf32, #tpu.memory_space<hbm>>
      %dma_wait3A_82 = arith.constant 0 : i32
      %dma_wait3A_83 = arith.constant 0 : i32
      %dma_wait3A_84 = tpu.memref_slice %arg2[%get3A_7, %dma_wait3A_82, %dma_wait3A_83] : memref<1000x8x1024xf32, #tpu.memory_space<hbm>> -> memref<1x8x1024xf32, #tpu.memory_space<hbm>>
      %dma_wait3A_85 = tpu.memref_squeeze %dma_wait3A_84 : memref<1x8x1024xf32, #tpu.memory_space<hbm>> -> memref<8x1024xf32, #tpu.memory_space<hbm>>
      tpu.wait_dma2 semaphore(%arg5 : memref<!tpu.dma_semaphore, #tpu.memory_space<semaphore_mem>>) src(%dma_wait3A_85 : memref<8x1024xf32, #tpu.memory_space<hbm>>) dst(%dma_wait3A_81 : memref<8x1024xf32, #tpu.memory_space<hbm>>)
    }
    %scan3A_5 = arith.constant 16 : i32
    return
  }
}

</mosaic_0001>

<sc_bundles>
// kernel: kernel.3.cloned.1.call-start
scs
__scs_entry_jumppad:
0x0: {  	(pc) =	sbr.rel $0x88, $3  }
0x1: {  	(tag) =	ssettag $0x0;
	lr =	simm.s32 $0x1  }
0x2: {  	[smem:$0x3F9F] =	sst lr;
	_ =	strace $0xD0000000  }
0x3: {  	_ = 	snop  }
0x4: {  	_ = 	snop  }
0x5: {  	_ = 	snop  }
0x6: {  	_ = 	snop  }
0x7: {  	_ = 	snop  }
__scs_overlays_trampoline_lowered:
0x8: {  	[smem:$0x3FAE] =	sst s0  }
0x9: {  	[smem:$0x3FAF] =	sst s1  }
0xa: {  	[smem:$0x3FB0] =	sst s2  }
0xb: {  	[smem:$0x3FB1] =	sst s3  }
0xc: {  	[smem:$0x3FB2] =	sst s4  }
0xd: {  	[smem:$0x3FB3] =	sst s5  }
0xe: {  	[smem:$0x3FB4] =	sst s6  }
0xf: {  	[smem:$0x3FB5] =	sst s7  }
0x10: {  	[smem:$0x3FB6] =	sst s8  }
0x11: {  	[smem:$0x3FB7] =	sst s9;
	s0 =	simm.s32 @!p0 $0x0  }
0x12: {  	s1 =	sld [smem:$0x3F9D];
	s0 =	simm.s32 @p0 $0x1  }
0x13: {  	[smem:$0x3FB8] =	sst s0;
	s0 =	simm.s32 @!p1 $0x0  }
0x14: {  	s2 =	sld [smem:$0x3F9C];
	s0 =	simm.s32 @p1 $0x1  }
0x15: {  	[smem:$0x3FB9] =	sst s0;
	s0 =	simm.s32 @!p2 $0x0  }
0x16: {  	s3 =	sld [smem:$0x3FDB];
	s0 =	simm.s32 @p2 $0x1  }
0x17: {  	s4 =	simm.s32 $0x1BF5;
	[smem:$0x3FBB] =	sst s0  }
0x18: {  	s0 =	sld [smem:$0x3F9E];
	_ =	swait.ge [sflag:s4], $0x0  }
0x19: {  	s7 =	sld [smem:$0x3F9F]  }
0x1a: {  	s8 =	sadd.s32 $0xFFFFE003, lr  }
0x1b: {  	s9 =	sadd.s32 $0xFFFFFEF7, lr;
	s5 =	simm.s32 $0xFFFFFFFF;
	p2 =	slt.u32 s8, $0xFFFFF086  }
0x1c: {  	p1 =	slt.u32 s9, $0xF7A;
	s5 =	simm.s32 @!p2 $0x0  }
0x1d: {  	s5 =	simm.s32 @p1 $0x1;
	p0 =	seq.s32 s7, s2  }
0x1e: {  	s7 =	smul.u32 @!p0 $0xF7A, s2;
	p2 =	seq.s32 @!p0 s5, $0x0  }
0x1f: {  	s9 =	smul.u32 $0xF7A, s1;
	s8 =	simm.s32 @!p0 $0x1BF5;
	p2 =	por !p2, p0  }
0x20: {  	[sflag:s8] =	ssyncset.s32 @!p0 $0xFFFFF086;
	s6 =	sadd.s32 @!p0 s3, s7;
	s7 =	simm.s32 @!p0 $0x108  }
0x21: {  	s3 =	sadd.s32 s3, s9;
	s6 =	sadd.s32 @!p0 $0x88, s6;
	s7 =	simm.s32 @p2 $0x1082  }
0x22: {  	[simem:s7], [sflag:s8] =	dma.local @!p0 [hbm:s6], $0xF7A  }
0x23: {  	s9 =	sor.u32 $0xD0000000, s2;
	s6 =	simm.s32 $0x108;
	_ =	swait.ge @!p0 [sflag:s8], $0x0  }
0x24: {  	s3 =	sadd.s32 $0x88, s3;
	s6 =	simm.s32 @!p1 $0x1082;
	[sflag:s4] =	ssyncset.s32 $0xFFFFF086  }
0x25: {  	[simem:s6], [sflag:s4] =	dma.local [hbm:s3], $0xF7A  }
0x26: {  	[smem:$0x3F9F] =	sst s1;
	(tag) =	ssettag s2;
	_ =	strace s9  }
0x27: {  	s1 =	sld [smem:$0x3FAF]  }
0x28: {  	s2 =	sld [smem:$0x3FB0]  }
0x29: {  	s4 =	sld [smem:$0x3FB2]  }
0x2a: {  	p0 =	seq.s32 s5, $0x0;
	s5 =	sld [smem:$0x3FB3]  }
0x2b: {  	s6 =	sld [smem:$0x3FB4]  }
0x2c: {  	s7 =	sld [smem:$0x3FB5]  }
0x2d: {  	s3 =	simm.s32 $0x108;
	s8 =	sld [smem:$0x3FB6]  }
0x2e: {  	s3 =	simm.s32 @!p0 $0x1082;
	s9 =	sld [smem:$0x3FB7]  }
0x2f: {  	lr =	sadd.s32 s0, s3;
	s0 =	sld [smem:$0x3FAE]  }
0x30: {  	s3 =	sld [smem:$0x3FB1]  }
0x31: {  	[smem:$0x3FBA] =	sst s10  }
0x32: {  	s10 =	sld [smem:$0x3FB8];
	_ =	sdelay $0x3  }
0x33: {  	p0 =	seq.s32 s10, $0x1;
	s10 =	sld [smem:$0x3FBA];
	_ =	sdelay $0x3  }
0x34: {  	[smem:$0x3FBA] =	sst s10  }
0x35: {  	s10 =	sld [smem:$0x3FB9];
	_ =	sdelay $0x3  }
0x36: {  	p1 =	seq.s32 s10, $0x1;
	s10 =	sld [smem:$0x3FBA];
	_ =	sdelay $0x3  }
0x37: {  	[smem:$0x3FBA] =	sst s10  }
0x38: {  	s10 =	sld [smem:$0x3FBB]  }
0x39: {  	_ = 	snop;
	(pc) =	sbr.ind lr, $3  }
0x3a: {  	_ = 	snop  }
0x3b: {  	_ = 	snop  }
0x3c: {  	p2 =	seq.s32 s10, $0x1;
	s10 =	sld [smem:$0x3FBA]  }
0x3d: {  	_ =	shalt  }
0x3e: {  	_ =	shalt  }
0x3f: {  	_ =	shalt  }
0x40: {  	_ =	shalt  }
0x41: {  	_ =	shalt  }
0x42: {  	_ =	shalt  }
0x43: {  	_ =	shalt  }
0x44: {  	_ =	shalt  }
0x45: {  	_ =	shalt  }
0x46: {  	_ =	shalt  }
0x47: {  	_ =	shalt  }
0x48: {  	_ =	shalt  }
0x49: {  	_ =	shalt  }
0x4a: {  	_ =	shalt  }
0x4b: {  	_ =	shalt  }
0x4c: {  	_ =	shalt  }
0x4d: {  	_ =	shalt  }
0x4e: {  	_ =	shalt  }
0x4f: {  	_ =	shalt  }
0x50: {  	_ =	shalt  }
0x51: {  	_ =	shalt  }
0x52: {  	_ =	shalt  }
0x53: {  	_ =	shalt  }
0x54: {  	_ =	shalt  }
0x55: {  	_ =	shalt  }
0x56: {  	_ =	shalt  }
0x57: {  	_ =	shalt  }
0x58: {  	_ =	shalt  }
0x59: {  	_ =	shalt  }
0x5a: {  	_ =	shalt  }
0x5b: {  	_ =	shalt  }
0x5c: {  	_ =	shalt  }
0x5d: {  	_ =	shalt  }
0x5e: {  	_ =	shalt  }
0x5f: {  	_ =	shalt  }
0x60: {  	_ =	shalt  }
0x61: {  	_ =	shalt  }
0x62: {  	_ =	shalt  }
0x63: {  	_ =	shalt  }
0x64: {  	_ =	shalt  }
0x65: {  	_ =	shalt  }
0x66: {  	_ =	shalt  }
0x67: {  	_ =	shalt  }
0x68: {  	_ =	shalt  }
0x69: {  	_ =	shalt  }
0x6a: {  	_ =	shalt  }
0x6b: {  	_ =	shalt  }
0x6c: {  	_ =	shalt  }
0x6d: {  	_ =	shalt  }
0x6e: {  	_ =	shalt  }
0x6f: {  	_ =	shalt  }
0x70: {  	_ =	shalt  }
0x71: {  	_ =	shalt  }
0x72: {  	_ =	shalt  }
0x73: {  	_ =	shalt  }
0x74: {  	_ =	shalt  }
0x75: {  	_ =	shalt  }
0x76: {  	_ =	shalt  }
0x77: {  	_ =	shalt  }
0x78: {  	_ =	shalt  }
0x79: {  	_ =	shalt  }
0x7a: {  	_ =	shalt  }
0x7b: {  	_ =	shalt  }
0x7c: {  	_ =	shalt  }
0x7d: {  	_ =	shalt  }
0x7e: {  	_ =	shalt  }
0x7f: {  	_ =	shalt  }
0x80: {  	_ =	shalt  }
0x81: {  	_ =	shalt  }
0x82: {  	_ =	shalt  }
0x83: {  	_ =	shalt  }
0x84: {  	_ =	shalt  }
0x85: {  	_ =	shalt  }
0x86: {  	_ =	shalt  }
0x87: {  	_ =	shalt  }
.Lfunc_end0:
.L_simem_size_0:
called_computation_lowered:
.L_overlay_start_0:
0x88: {  	s2 =	sld [smem:$0x3FD9]  }
0x89: {  	s3 =	sld [smem:$0x3FFE];
	_ =	sdelay $0x1  }
0x8a: {  	s1 =	srdreg.scid  }
0x8b: {  	s0 =	sand.u32 $0x1, s1  }
0x8c: {  	s23 =	sshll.u32 s0, $0xA;
	s2 =	sadd.s32 s3, s2  }
0x8d: {  	s2 =	sadd.s32 s2, s23  }
0x8e: {  	s3 =	simm.s32 $0x0;
	[smem:$0x3FC6] =	sst s2  }
0x8f: {  	[smem:$0xF] =	sst s3  }
0x90: {  	s4 =	sld [smem:$0x3FC9]  }
0x91: {  	s2 =	sld [smem:$0x3FC8]  }
0x92: {  	s5 =	sld [smem:$0x3FD0];
	(tm) =	ssettm $0x1  }
0x93: {  	s6 =	sld [smem:$0x3FFB];
	_ =	sdelay $0x3  }
0x94: {  	_ =	strace s6  }
0x95: {  	s6 =	sld [smem:$0x3FFC];
	_ =	sdelay $0x3  }
0x96: {  	_ =	strace s6  }
0x97: {  	s6 =	sld [smem:$0x3FFD];
	_ =	sdelay $0x3  }
0x98: {  	_ =	strace s6  }
0x99: {  	s24 =	simm.s32 $0x1B8B;
	_ =	strace $0x8FFFFFFF  }
0x9a: {  	_ =	swait.ge [sflag:s24], $0x1  }
0x9b: {  	[sflag:s24] =	ssyncset.done $0x0  }
0x9c: {  	s25 =	simm.s32 $0x1B8E;
	[sflag:s24] =	ssyncadd.s32 $0xFFFFFFFF  }
0x9d: {  	[smem:$0x3FD2] =	sst s25  }
0x9e: {  	s26 =	simm.s32 $0xA;
	s7 =	simm.s32 $0x10;
	_ =	strace $0x80000046  }
0x9f: {  	[smem:s7], [sflag:s26] =	dma.local [hbm:s4], $0x10  }
0xa0: {  	_ =	swait.ge [sflag:s26], $0x10  }
0xa1: {  	[sflag:s26] =	ssyncset.done $0x0  }
0xa2: {  	s28 =	sshll.u32 s0, $0x4;
	[sflag:s26] =	ssyncadd.s32 $0xFFFFFFF0  }
0xa3: {  	s4 =	sadd.s32 $0x10, s28;
	s29 =	sld [smem:$0x0]  }
0xa4: {  	s8 =	sld [smem:s4+$0x0]  }
0xa5: {  	[dreg:$0x0] =	wrdreg $0x80  }
0xa6: {  	s30 =	sshll.u32 s0, $0xE;
	[dreg:$0x1] =	wrdreg $0x10  }
0xa7: {  	s5 =	sadd.s32 s30, s5;
	[dreg:$0x2] =	wrdreg $0x8  }
0xa8: {  	s9 =	sadd.s32 $0x0, s5;
	[dreg:$0x3] =	wrdreg $0x10;
	s8 =	sshll.u32 s8, $0xA  }
0xa9: {  	s6 =	simm.s32 $0x9;
	[dreg:$0x4] =	wrdreg $0x80;
	s8 =	sand.u32 $0x1FFFFC00, s8  }
0xaa: {  	s7 =	sor.u32 $0x4044000, s29;
	[dreg:$0x5] =	wrdreg $0x1;
	s8 =	sadd.s32 s2, s8  }
0xab: {  	[hbm:s9], [sflag:s6] =	dma.general [hbm:s8], [sflag:s3], length:$0x400, [dreg:$0x0], stride_count:$0x2, ici_dest:s7, dma_misc:DstOpCode:WRITE  }
0xac: {  	_ =	swait.ge [sflag:s6], $0x400  }
0xad: {  	[sflag:s6] =	ssyncset.done $0x0  }
0xae: {  	[sflag:s6] =	ssyncadd.s32 $0xFFFFFC00  }
0xaf: {  	[dreg:$0x0] =	wrdreg $0x80  }
0xb0: {  	[dreg:$0x1] =	wrdreg $0x10  }
0xb1: {  	[dreg:$0x2] =	wrdreg $0x8  }
0xb2: {  	[dreg:$0x3] =	wrdreg $0x10  }
0xb3: {  	[dreg:$0x4] =	wrdreg $0x80  }
0xb4: {  	s10 =	sadd.s32 $0x8000, s9;
	[dreg:$0x5] =	wrdreg $0x1  }
0xb5: {  	[hbm:s10], [sflag:s6] =	dma.general [hbm:s8], [sflag:s3], length:$0x400, [dreg:$0x0], stride_count:$0x2, ici_dest:s7, dma_misc:DstOpCode:WRITE  }
0xb6: {  	_ =	swait.ge [sflag:s6], $0x400  }
0xb7: {  	[sflag:s6] =	ssyncset.done $0x0  }
0xb8: {  	[sflag:s6] =	ssyncadd.s32 $0xFFFFFC00  }
0xb9: {  	[dreg:$0x0] =	wrdreg $0x80  }
0xba: {  	[dreg:$0x1] =	wrdreg $0x10  }
0xbb: {  	[dreg:$0x2] =	wrdreg $0x8  }
0xbc: {  	[dreg:$0x3] =	wrdreg $0x10  }
0xbd: {  	[dreg:$0x4] =	wrdreg $0x80  }
0xbe: {  	s31 =	sadd.s32 $0x10000, s9;
	[dreg:$0x5] =	wrdreg $0x1  }
0xbf: {  	[hbm:s31], [sflag:s6] =	dma.general [hbm:s8], [sflag:s3], length:$0x400, [dreg:$0x0], stride_count:$0x2, ici_dest:s7, dma_misc:DstOpCode:WRITE  }
0xc0: {  	_ =	swait.ge [sflag:s6], $0x400  }
0xc1: {  	[sflag:s6] =	ssyncset.done $0x0  }
0xc2: {  	[sflag:s6] =	ssyncadd.s32 $0xFFFFFC00  }
0xc3: {  	[dreg:$0x0] =	wrdreg $0x80  }
0xc4: {  	[dreg:$0x1] =	wrdreg $0x10  }
0xc5: {  	[dreg:$0x2] =	wrdreg $0x8  }
0xc6: {  	[dreg:$0x3] =	wrdreg $0x10  }
0xc7: {  	[dreg:$0x4] =	wrdreg $0x80  }
0xc8: {  	s9 =	sadd.s32 $0x18000, s9;
	[dreg:$0x5] =	wrdreg $0x1  }
0xc9: {  	[hbm:s9], [sflag:s6] =	dma.general [hbm:s8], [sflag:s3], length:$0x400, [dreg:$0x0], stride_count:$0x2, ici_dest:s7, dma_misc:DstOpCode:WRITE  }
0xca: {  	_ =	swait.ge [sflag:s6], $0x400  }
0xcb: {  	s7 =	simm.s32 $0x400;
	[sflag:s6] =	ssyncset.done $0x0  }
.LBB1_1:
0xcc: {  	p0 =	sne.s32 s7, $0x3C00;
	[sflag:s6] =	ssyncadd.s32 $0xFFFFFC00;
	s4 =	sadd.s32 $0x1, s4  }
0xcd: {  	s8 =	smov.u32 s7;
	s7 =	sadd.s32 $0x400, s7;
	s10 =	sld [smem:$0x0]  }
0xce: {  	s9 =	sld [smem:s4+$0x0]  }
0xcf: {  	[dreg:$0x0] =	wrdreg $0x80  }
0xd0: {  	[dreg:$0x1] =	wrdreg $0x10  }
0xd1: {  	[dreg:$0x2] =	wrdreg $0x8  }
0xd2: {  	s9 =	sshll.u32 s9, $0xA;
	[dreg:$0x3] =	wrdreg $0x10  }
0xd3: {  	s8 =	sadd.s32 s8, s5;
	s9 =	sand.u32 $0x1FFFFC00, s9;
	[dreg:$0x4] =	wrdreg $0x80  }
0xd4: {  	s10 =	sor.u32 $0x4044000, s10;
	s9 =	sadd.s32 s2, s9;
	[dreg:$0x5] =	wrdreg $0x1  }
0xd5: {  	[hbm:s8], [sflag:s6] =	dma.general [hbm:s9], [sflag:s3], length:$0x400, [dreg:$0x0], stride_count:$0x2, ici_dest:s10, dma_misc:DstOpCode:WRITE  }
0xd6: {  	_ =	swait.ge [sflag:s6], $0x400  }
0xd7: {  	[sflag:s6] =	ssyncset.done $0x0  }
0xd8: {  	[sflag:s6] =	ssyncadd.s32 $0xFFFFFC00  }
0xd9: {  	[dreg:$0x0] =	wrdreg $0x80  }
0xda: {  	[dreg:$0x1] =	wrdreg $0x10  }
0xdb: {  	[dreg:$0x2] =	wrdreg $0x8  }
0xdc: {  	[dreg:$0x3] =	wrdreg $0x10  }
0xdd: {  	[dreg:$0x4] =	wrdreg $0x80  }
0xde: {  	s11 =	sadd.s32 $0x8000, s8;
	[dreg:$0x5] =	wrdreg $0x1  }
0xdf: {  	[hbm:s11], [sflag:s6] =	dma.general [hbm:s9], [sflag:s3], length:$0x400, [dreg:$0x0], stride_count:$0x2, ici_dest:s10, dma_misc:DstOpCode:WRITE  }
0xe0: {  	_ =	swait.ge [sflag:s6], $0x400  }
0xe1: {  	[sflag:s6] =	ssyncset.done $0x0  }
0xe2: {  	[sflag:s6] =	ssyncadd.s32 $0xFFFFFC00  }
0xe3: {  	[dreg:$0x0] =	wrdreg $0x80  }
0xe4: {  	[dreg:$0x1] =	wrdreg $0x10  }
0xe5: {  	[dreg:$0x2] =	wrdreg $0x8  }
0xe6: {  	[dreg:$0x3] =	wrdreg $0x10  }
0xe7: {  	[dreg:$0x4] =	wrdreg $0x80  }
0xe8: {  	s11 =	sadd.s32 $0x10000, s8;
	[dreg:$0x5] =	wrdreg $0x1  }
0xe9: {  	[hbm:s11], [sflag:s6] =	dma.general [hbm:s9], [sflag:s3], length:$0x400, [dreg:$0x0], stride_count:$0x2, ici_dest:s10, dma_misc:DstOpCode:WRITE  }
0xea: {  	_ =	swait.ge [sflag:s6], $0x400  }
0xeb: {  	[sflag:s6] =	ssyncset.done $0x0  }
0xec: {  	[sflag:s6] =	ssyncadd.s32 $0xFFFFFC00  }
0xed: {  	[dreg:$0x0] =	wrdreg $0x80  }
0xee: {  	[dreg:$0x1] =	wrdreg $0x10  }
0xef: {  	[dreg:$0x2] =	wrdreg $0x8  }
0xf0: {  	[dreg:$0x3] =	wrdreg $0x10  }
0xf1: {  	[dreg:$0x4] =	wrdreg $0x80  }
.Ltmp0:
0xf2: {  	s8 =	sadd.s32 $0x18000, s8;
	[dreg:$0x5] =	wrdreg $0x1;
	(pc) =	sbr.rel @p0 .LBB1_1-.Ltmp0, $3  }
0xf3: {  	[hbm:s8], [sflag:s6] =	dma.general [hbm:s9], [sflag:s3], length:$0x400, [dreg:$0x0], stride_count:$0x2, ici_dest:s10, dma_misc:DstOpCode:WRITE  }
0xf4: {  	_ =	swait.ge [sflag:s6], $0x400  }
0xf5: {  	[sflag:s6] =	ssyncset.done $0x0  }
0xf6: {  	[sflag:s6] =	ssyncadd.s32 $0xFFFFFC00  }
0xf7: {  	_ =	strace $0x90000046  }
0xf8: {  	_ =	sfence  }
0xf9: {  	s2 =	sld [smem:$0x0];
	_ =	sdelay $0x2  }
0xfa: {  	s3 =	sshll.u32 s1, $0xD;
	s31 =	sshrl.u32 s1, $0x2  }
0xfb: {  	s3 =	sand.u32 $0x4000, s3;
	s1 =	sadd.s32 s31, s2  }
0xfc: {  	s0 =	sor.u32 s3, s0;
	s1 =	sshll.u32 s1, $0x11  }
0xfd: {  	s0 =	sor.u32 s1, s0  }
0xfe: {  	s0 =	sadd.s32 $0x8F2B, s0;
	(pc) =	sbr.abs _section_cstart, $3  }
0xff: {  	[sflag:s0] =	ssyncadd.remote.s32 $0x1  }
0x100: {  	_ =	strace $0x9FFFFFFF  }
0x101: {  	(tm) =	ssettm $0x7FFFFFFF  }

</sc_bundles>
